<compile_context>
chip_gen: v7x
topology: tpu7x:2x2x1
jax: 0.10.2.dev20260603
libtpu: 0.0.44.dev20260713+nightly
codegen_flags: <defaults>
</compile_context>

<pallas_src>
import functools
import math

import jax
import jax.numpy as jnp
from jax import lax
from jax.experimental import pallas as pl
from jax.experimental.pallas import tpu as pltpu
from jax.experimental.pallas import tpu_sc as plsc


def _emb_call(x, table, pe_slice):
    B, L = x.shape
    V, D = table.shape
    scale = math.sqrt(D)

    info = plsc.get_sparse_core_info()
    num_cores = info.num_cores
    num_workers = info.num_cores * info.num_subcores
    assert B % num_workers == 0
    b_per_w = B // num_workers

    c0, c1 = 120, L - 120

    mesh = plsc.VectorSubcoreMesh(core_axis_name="c", subcore_axis_name="s")

    @functools.partial(
        pl.kernel,
        mesh=mesh,
        out_type=jax.ShapeDtypeStruct((B, L, D), jnp.float32),
        compiler_params=pltpu.CompilerParams(use_tc_tiling_on_sc=False),
        scratch_types=[
            pltpu.VMEM((L,), jnp.int32),
            pltpu.VMEM((L, D), jnp.float32),
            pltpu.VMEM((L, D), jnp.float32),
            pltpu.SemaphoreType.DMA,
        ],
    )
    def emb_kernel(x_hbm, table_hbm, pe_hbm, out_hbm, idx_v, rows_v, pe_v, sem):
        wid = lax.axis_index("s") * num_cores + lax.axis_index("c")
        base = wid * b_per_w
        pltpu.sync_copy(pe_hbm, pe_v)

        def body(i, carry):
            b = base + i
            pltpu.sync_copy(x_hbm.at[b], idx_v)
            cp1 = pltpu.async_copy(
                table_hbm.at[idx_v.at[pl.ds(0, c0)]], rows_v.at[pl.ds(0, c0)], sem
            )
            cp2 = pltpu.async_copy(
                table_hbm.at[idx_v.at[pl.ds(c0, c1)]], rows_v.at[pl.ds(c0, c1)], sem
            )
            cp1.wait()
            cp2.wait()

            def vbody(r, vc):
                for c in range(D // 16):
                    s = pl.ds(c * 16, 16)
                    rows_v[r, s] = rows_v[r, s] * scale + pe_v[r, s]
                return vc

            lax.fori_loop(0, L, vbody, 0)
            pltpu.sync_copy(rows_v, out_hbm.at[b])
            return carry

        lax.fori_loop(0, b_per_w, body, 0)

    return emb_kernel(x, table, pe_slice)


def kernel(x, table, pe):
    pe_slice = pe[0, : x.shape[1], :]
    return _emb_call(x, table, pe_slice)

# --- scband reference (transcript-rebuilt; emitter-appended) ---
"""Pipeline reference for scband-transformer-embedding-27178553049752 (READ-ONLY COPY).

The authoritative reference and input builder live on the scoring server;
editing this copy changes nothing except your own understanding.
"""

import jax, jax.numpy as jnp
import numpy as np
import math

VOCAB = 1000000
D = 64
MAX_LEN = 5000
B = 4096
L = 200


def make_pe():
    pe = np.zeros((MAX_LEN, D), dtype=np.float32)
    position = np.arange(0, MAX_LEN, dtype=np.float32)[:, None]
    div_term = np.exp(np.arange(0, D, 2, dtype=np.float32) * -(math.log(10000.0) / D))
    pe[:, 0::2] = np.sin(position * div_term)
    pe[:, 1::2] = np.cos(position * div_term)
    return jnp.asarray(pe[None])  # [1, MAX_LEN, D]


def setup_inputs(seed: int = 0) -> dict:
    key = jax.random.key(seed)
    k1, k2 = jax.random.split(key)
    x = jax.random.randint(k1, (B, L), 0, VOCAB, dtype=jnp.int32)
    # nn.Embedding default init: N(0, 1)
    table = jax.random.normal(k2, (VOCAB, D), dtype=jnp.float32)
    pe = make_pe()
    return {"x": x, "table": table, "pe": pe}


def reference(x, table, pe):
    # Embeddings: lut(x) * sqrt(d_model)
    emb = jnp.take(table, x, axis=0) * math.sqrt(D)
    # PositionalEmbedding: pe[:, :x.size(1)] (buffer, no grad)
    out = emb + pe[:, : x.shape[1]]
    # Dropout is identity in eval mode
    return out

if __name__ == "__main__":
    import jax
    _d = setup_inputs()
    print(jax.jit(kernel)(*tuple(_d.values())))

</pallas_src>

<mosaic_0001>
#map = affine_map<(d0, d1) -> (0, 0)>
#map1 = affine_map<(d0, d1) -> (0, 0, 0)>
module attributes {stable_mosaic.version = 14 : i64} {
  func.func @emb_kernel(%arg0: i32, %arg1: i32, %arg2: memref<4096x200xi32, #tpu.memory_space<hbm>>, %arg3: memref<1000000x64xf32, #tpu.memory_space<hbm>>, %arg4: memref<200x64xf32, #tpu.memory_space<hbm>>, %arg5: memref<4096x200x64xf32, #tpu.memory_space<hbm>>, %arg6: memref<200xi32, #tpu.memory_space<vmem>>, %arg7: memref<200x64xf32, #tpu.memory_space<vmem>>, %arg8: memref<200x64xf32, #tpu.memory_space<vmem>>, %arg9: memref<!tpu.dma_semaphore, #tpu.memory_space<semaphore_mem>>) attributes {dimension_semantics = [#tpu.dimension_semantics<core_parallel>, #tpu.dimension_semantics<subcore_parallel>], iteration_bounds = array<i64: 2, 16>, scalar_prefetch = 0 : i64, scratch_operands = 4 : i64, tpu.core_type = #tpu.core_type<sc_vector_subcore>, window_params = [{transform_indices = #map}, {transform_indices = #map}, {transform_indices = #map}, {transform_indices = #map1}]} {
    %mul3A = arith.constant 2 : i32
    %mul3A_0 = arith.muli %arg1, %mul3A : i32
    %add3A = arith.addi %mul3A_0, %arg0 : i32
    %mul3A_1 = arith.constant 128 : i32
    %mul3A_2 = arith.muli %add3A, %mul3A_1 : i32
    "tpu.region"() ({
      %run_scoped3A = tpu.sem_alloc : memref<!tpu.dma_semaphore, #tpu.memory_space<semaphore_mem>>
      tpu.enqueue_dma source(%arg4 : memref<200x64xf32, #tpu.memory_space<hbm>>) target(%arg8 : memref<200x64xf32, #tpu.memory_space<vmem>>) target_semaphore(%run_scoped3A : memref<!tpu.dma_semaphore, #tpu.memory_space<semaphore_mem>>)
      tpu.wait_dma2 semaphore(%run_scoped3A : memref<!tpu.dma_semaphore, #tpu.memory_space<semaphore_mem>>) src(%arg4 : memref<200x64xf32, #tpu.memory_space<hbm>>) dst(%arg8 : memref<200x64xf32, #tpu.memory_space<vmem>>)
      tpu.yield
    }) : () -> ()
    %scan3A = arith.constant 0 : i32
    %scan3A_3 = arith.constant 0 : i32
    %scan3A_4 = arith.constant 128 : i32
    %scan3A_5 = arith.addi %scan3A_3, %scan3A_4 : i32
    %scan3A_6 = arith.constant 1 : i32
    scf.for %scan3A_8 = %scan3A_3 to %scan3A_5 step %scan3A_6  : i32 {
      %add3A_9 = arith.addi %mul3A_2, %scan3A_8 : i32
      "tpu.region"() ({
        %run_scoped3A = tpu.sem_alloc : memref<!tpu.dma_semaphore, #tpu.memory_space<semaphore_mem>>
        %dma_start3A_46 = arith.constant 0 : i32
        %dma_start3A_47 = tpu.memref_slice %arg2[%add3A_9, %dma_start3A_46] : memref<4096x200xi32, #tpu.memory_space<hbm>> -> memref<1x200xi32, #tpu.memory_space<hbm>>
        %dma_start3A_48 = tpu.memref_squeeze %dma_start3A_47 : memref<1x200xi32, #tpu.memory_space<hbm>> -> memref<200xi32, #tpu.memory_space<hbm>>
        %dma_start3A_49 = arith.constant 0 : i32
        %dma_start3A_50 = tpu.memref_slice %arg2[%add3A_9, %dma_start3A_49] : memref<4096x200xi32, #tpu.memory_space<hbm>> -> memref<1x200xi32, #tpu.memory_space<hbm>>
        %dma_start3A_51 = tpu.memref_squeeze %dma_start3A_50 : memref<1x200xi32, #tpu.memory_space<hbm>> -> memref<200xi32, #tpu.memory_space<hbm>>
        tpu.enqueue_dma source(%dma_start3A_51 : memref<200xi32, #tpu.memory_space<hbm>>) target(%arg6 : memref<200xi32, #tpu.memory_space<vmem>>) target_semaphore(%run_scoped3A : memref<!tpu.dma_semaphore, #tpu.memory_space<semaphore_mem>>)
        %dma_wait3A_52 = arith.constant 0 : i32
        %dma_wait3A_53 = tpu.memref_slice %arg2[%add3A_9, %dma_wait3A_52] : memref<4096x200xi32, #tpu.memory_space<hbm>> -> memref<1x200xi32, #tpu.memory_space<hbm>>
        %dma_wait3A_54 = tpu.memref_squeeze %dma_wait3A_53 : memref<1x200xi32, #tpu.memory_space<hbm>> -> memref<200xi32, #tpu.memory_space<hbm>>
        %dma_wait3A_55 = arith.constant 0 : i32
        %dma_wait3A_56 = tpu.memref_slice %arg2[%add3A_9, %dma_wait3A_55] : memref<4096x200xi32, #tpu.memory_space<hbm>> -> memref<1x200xi32, #tpu.memory_space<hbm>>
        %dma_wait3A_57 = tpu.memref_squeeze %dma_wait3A_56 : memref<1x200xi32, #tpu.memory_space<hbm>> -> memref<200xi32, #tpu.memory_space<hbm>>
        tpu.wait_dma2 semaphore(%run_scoped3A : memref<!tpu.dma_semaphore, #tpu.memory_space<semaphore_mem>>) src(%dma_wait3A_57 : memref<200xi32, #tpu.memory_space<hbm>>) dst(%arg6 : memref<200xi32, #tpu.memory_space<vmem>>)
        tpu.yield
      }) : () -> ()
      %dma_start3A = arith.constant 0 : i32
      %dma_start3A_10 = arith.constant 0 : i32
      %dma_start3A_11 = tpu.memref_slice %arg7[%dma_start3A, %dma_start3A_10] : memref<200x64xf32, #tpu.memory_space<vmem>> -> memref<120x64xf32, #tpu.memory_space<vmem>>
      %dma_start3A_12 = arith.constant 0 : i32
      %dma_start3A_13 = tpu.memref_slice %arg6[%dma_start3A_12] : memref<200xi32, #tpu.memory_space<vmem>> -> memref<120xi32, #tpu.memory_space<vmem>>
      %dma_start3A_14 = arith.constant 0 : i32
      %dma_start3A_15 = arith.constant 0 : i32
      %dma_start3A_16 = tpu.memref_slice %arg3[%dma_start3A_14, %dma_start3A_15] : memref<1000000x64xf32, #tpu.memory_space<hbm>> -> memref<1000000x64xf32, #tpu.memory_space<hbm>>
      tpu.enqueue_indirect_dma source(%dma_start3A_16 : memref<1000000x64xf32, #tpu.memory_space<hbm>>) target(%dma_start3A_11 : memref<120x64xf32, #tpu.memory_space<vmem>>) offsets(%dma_start3A_13 : memref<120xi32, #tpu.memory_space<vmem>>) semaphore(%arg9 : memref<!tpu.dma_semaphore, #tpu.memory_space<semaphore_mem>>)
      %dma_start3A_17 = arith.constant 120 : i32
      %dma_start3A_18 = arith.constant 0 : i32
      %dma_start3A_19 = tpu.memref_slice %arg7[%dma_start3A_17, %dma_start3A_18] : memref<200x64xf32, #tpu.memory_space<vmem>> -> memref<80x64xf32, #tpu.memory_space<vmem>>
      %dma_start3A_20 = arith.constant 120 : i32
      %dma_start3A_21 = tpu.memref_slice %arg6[%dma_start3A_20] : memref<200xi32, #tpu.memory_space<vmem>> -> memref<80xi32, #tpu.memory_space<vmem>>
      %dma_start3A_22 = arith.constant 0 : i32
      %dma_start3A_23 = arith.constant 0 : i32
      %dma_start3A_24 = tpu.memref_slice %arg3[%dma_start3A_22, %dma_start3A_23] : memref<1000000x64xf32, #tpu.memory_space<hbm>> -> memref<1000000x64xf32, #tpu.memory_space<hbm>>
      tpu.enqueue_indirect_dma source(%dma_start3A_24 : memref<1000000x64xf32, #tpu.memory_space<hbm>>) target(%dma_start3A_19 : memref<80x64xf32, #tpu.memory_space<vmem>>) offsets(%dma_start3A_21 : memref<80xi32, #tpu.memory_space<vmem>>) semaphore(%arg9 : memref<!tpu.dma_semaphore, #tpu.memory_space<semaphore_mem>>)
      %dma_wait3A = arith.constant 0 : i32
      %dma_wait3A_25 = arith.constant 0 : i32
      %dma_wait3A_26 = tpu.memref_slice %arg7[%dma_wait3A, %dma_wait3A_25] : memref<200x64xf32, #tpu.memory_space<vmem>> -> memref<120x64xf32, #tpu.memory_space<vmem>>
      %dma_wait3A_27 = arith.constant 0 : i32
      %dma_wait3A_28 = tpu.memref_slice %arg6[%dma_wait3A_27] : memref<200xi32, #tpu.memory_space<vmem>> -> memref<120xi32, #tpu.memory_space<vmem>>
      %dma_wait3A_29 = arith.constant 0 : i32
      %dma_wait3A_30 = arith.constant 0 : i32
      %dma_wait3A_31 = tpu.memref_slice %arg3[%dma_wait3A_29, %dma_wait3A_30] : memref<1000000x64xf32, #tpu.memory_space<hbm>> -> memref<1000000x64xf32, #tpu.memory_space<hbm>>
      tpu.wait_indirect_dma semaphore(%arg9 : memref<!tpu.dma_semaphore, #tpu.memory_space<semaphore_mem>>) src(%dma_wait3A_31 : memref<1000000x64xf32, #tpu.memory_space<hbm>>) dst(%dma_wait3A_26 : memref<120x64xf32, #tpu.memory_space<vmem>>)
      %dma_wait3A_32 = arith.constant 120 : i32
      %dma_wait3A_33 = arith.constant 0 : i32
      %dma_wait3A_34 = tpu.memref_slice %arg7[%dma_wait3A_32, %dma_wait3A_33] : memref<200x64xf32, #tpu.memory_space<vmem>> -> memref<80x64xf32, #tpu.memory_space<vmem>>
      %dma_wait3A_35 = arith.constant 120 : i32
      %dma_wait3A_36 = tpu.memref_slice %arg6[%dma_wait3A_35] : memref<200xi32, #tpu.memory_space<vmem>> -> memref<80xi32, #tpu.memory_space<vmem>>
      %dma_wait3A_37 = arith.constant 0 : i32
      %dma_wait3A_38 = arith.constant 0 : i32
      %dma_wait3A_39 = tpu.memref_slice %arg3[%dma_wait3A_37, %dma_wait3A_38] : memref<1000000x64xf32, #tpu.memory_space<hbm>> -> memref<1000000x64xf32, #tpu.memory_space<hbm>>
      tpu.wait_indirect_dma semaphore(%arg9 : memref<!tpu.dma_semaphore, #tpu.memory_space<semaphore_mem>>) src(%dma_wait3A_39 : memref<1000000x64xf32, #tpu.memory_space<hbm>>) dst(%dma_wait3A_34 : memref<80x64xf32, #tpu.memory_space<vmem>>)
      %scan3A_40 = arith.constant 0 : i32
      %scan3A_41 = arith.constant 0 : i32
      %scan3A_42 = arith.constant 200 : i32
      %scan3A_43 = arith.addi %scan3A_41, %scan3A_42 : i32
      %scan3A_44 = arith.constant 1 : i32
      scf.for %scan3A_46 = %scan3A_41 to %scan3A_43 step %scan3A_44  : i32 {
        %get3A = arith.index_cast %scan3A_46 : i32 to index
        %get3A_47 = arith.constant 0 : index
        %get3A_48 = tpu.vector_load %arg7[%get3A, %get3A_47] {strides = array<i32>} : memref<200x64xf32, #tpu.memory_space<vmem>>, vector<1x16xf32>,
        %get3A_49 = vector.shape_cast %get3A_48 : vector<1x16xf32> to vector<16xf32>
        %mul3A_50 = arith.constant 8.000000e+00 : f32
        %mul3A_51 = vector.broadcast %mul3A_50 : f32 to vector<16xf32>
        %mul3A_52 = arith.mulf %get3A_49, %mul3A_51 : vector<16xf32>
        %get3A_53 = arith.index_cast %scan3A_46 : i32 to index
        %get3A_54 = arith.constant 0 : index
        %get3A_55 = tpu.vector_load %arg8[%get3A_53, %get3A_54] {strides = array<i32>} : memref<200x64xf32, #tpu.memory_space<vmem>>, vector<1x16xf32>,
        %get3A_56 = vector.shape_cast %get3A_55 : vector<1x16xf32> to vector<16xf32>
        %add3A_57 = arith.addf %mul3A_52, %get3A_56 : vector<16xf32>
        %swap3A = arith.index_cast %scan3A_46 : i32 to index
        %swap3A_58 = arith.constant 0 : index
        %swap3A_59 = tpu.vector_load %arg7[%swap3A, %swap3A_58] {strides = array<i32>} : memref<200x64xf32, #tpu.memory_space<vmem>>, vector<1x16xf32>,
        %swap3A_60 = vector.shape_cast %swap3A_59 : vector<1x16xf32> to vector<16xf32>
        %swap3A_61 = vector.shape_cast %add3A_57 : vector<16xf32> to vector<1x16xf32>
        tpu.vector_store %arg7[%swap3A, %swap3A_58], %swap3A_61 {strides = array<i32>} : memref<200x64xf32, #tpu.memory_space<vmem>>, vector<1x16xf32>,
        %get3A_62 = arith.index_cast %scan3A_46 : i32 to index
        %get3A_63 = arith.constant 16 : index
        %get3A_64 = tpu.vector_load %arg7[%get3A_62, %get3A_63] {strides = array<i32>} : memref<200x64xf32, #tpu.memory_space<vmem>>, vector<1x16xf32>,
        %get3A_65 = vector.shape_cast %get3A_64 : vector<1x16xf32> to vector<16xf32>
        %mul3A_66 = arith.constant 8.000000e+00 : f32
        %mul3A_67 = vector.broadcast %mul3A_66 : f32 to vector<16xf32>
        %mul3A_68 = arith.mulf %get3A_65, %mul3A_67 : vector<16xf32>
        %get3A_69 = arith.index_cast %scan3A_46 : i32 to index
        %get3A_70 = arith.constant 16 : index
        %get3A_71 = tpu.vector_load %arg8[%get3A_69, %get3A_70] {strides = array<i32>} : memref<200x64xf32, #tpu.memory_space<vmem>>, vector<1x16xf32>,
        %get3A_72 = vector.shape_cast %get3A_71 : vector<1x16xf32> to vector<16xf32>
        %add3A_73 = arith.addf %mul3A_68, %get3A_72 : vector<16xf32>
        %swap3A_74 = arith.index_cast %scan3A_46 : i32 to index
        %swap3A_75 = arith.constant 16 : index
        %swap3A_76 = tpu.vector_load %arg7[%swap3A_74, %swap3A_75] {strides = array<i32>} : memref<200x64xf32, #tpu.memory_space<vmem>>, vector<1x16xf32>,
        %swap3A_77 = vector.shape_cast %swap3A_76 : vector<1x16xf32> to vector<16xf32>
        %swap3A_78 = vector.shape_cast %add3A_73 : vector<16xf32> to vector<1x16xf32>
        tpu.vector_store %arg7[%swap3A_74, %swap3A_75], %swap3A_78 {strides = array<i32>} : memref<200x64xf32, #tpu.memory_space<vmem>>, vector<1x16xf32>,
        %get3A_79 = arith.index_cast %scan3A_46 : i32 to index
        %get3A_80 = arith.constant 32 : index
        %get3A_81 = tpu.vector_load %arg7[%get3A_79, %get3A_80] {strides = array<i32>} : memref<200x64xf32, #tpu.memory_space<vmem>>, vector<1x16xf32>,
        %get3A_82 = vector.shape_cast %get3A_81 : vector<1x16xf32> to vector<16xf32>
        %mul3A_83 = arith.constant 8.000000e+00 : f32
        %mul3A_84 = vector.broadcast %mul3A_83 : f32 to vector<16xf32>
        %mul3A_85 = arith.mulf %get3A_82, %mul3A_84 : vector<16xf32>
        %get3A_86 = arith.index_cast %scan3A_46 : i32 to index
        %get3A_87 = arith.constant 32 : index
        %get3A_88 = tpu.vector_load %arg8[%get3A_86, %get3A_87] {strides = array<i32>} : memref<200x64xf32, #tpu.memory_space<vmem>>, vector<1x16xf32>,
        %get3A_89 = vector.shape_cast %get3A_88 : vector<1x16xf32> to vector<16xf32>
        %add3A_90 = arith.addf %mul3A_85, %get3A_89 : vector<16xf32>
        %swap3A_91 = arith.index_cast %scan3A_46 : i32 to index
        %swap3A_92 = arith.constant 32 : index
        %swap3A_93 = tpu.vector_load %arg7[%swap3A_91, %swap3A_92] {strides = array<i32>} : memref<200x64xf32, #tpu.memory_space<vmem>>, vector<1x16xf32>,
        %swap3A_94 = vector.shape_cast %swap3A_93 : vector<1x16xf32> to vector<16xf32>
        %swap3A_95 = vector.shape_cast %add3A_90 : vector<16xf32> to vector<1x16xf32>
        tpu.vector_store %arg7[%swap3A_91, %swap3A_92], %swap3A_95 {strides = array<i32>} : memref<200x64xf32, #tpu.memory_space<vmem>>, vector<1x16xf32>,
        %get3A_96 = arith.index_cast %scan3A_46 : i32 to index
        %get3A_97 = arith.constant 48 : index
        %get3A_98 = tpu.vector_load %arg7[%get3A_96, %get3A_97] {strides = array<i32>} : memref<200x64xf32, #tpu.memory_space<vmem>>, vector<1x16xf32>,
        %get3A_99 = vector.shape_cast %get3A_98 : vector<1x16xf32> to vector<16xf32>
        %mul3A_100 = arith.constant 8.000000e+00 : f32
        %mul3A_101 = vector.broadcast %mul3A_100 : f32 to vector<16xf32>
        %mul3A_102 = arith.mulf %get3A_99, %mul3A_101 : vector<16xf32>
        %get3A_103 = arith.index_cast %scan3A_46 : i32 to index
        %get3A_104 = arith.constant 48 : index
        %get3A_105 = tpu.vector_load %arg8[%get3A_103, %get3A_104] {strides = array<i32>} : memref<200x64xf32, #tpu.memory_space<vmem>>, vector<1x16xf32>,
        %get3A_106 = vector.shape_cast %get3A_105 : vector<1x16xf32> to vector<16xf32>
        %add3A_107 = arith.addf %mul3A_102, %get3A_106 : vector<16xf32>
        %swap3A_108 = arith.index_cast %scan3A_46 : i32 to index
        %swap3A_109 = arith.constant 48 : index
        %swap3A_110 = tpu.vector_load %arg7[%swap3A_108, %swap3A_109] {strides = array<i32>} : memref<200x64xf32, #tpu.memory_space<vmem>>, vector<1x16xf32>,
        %swap3A_111 = vector.shape_cast %swap3A_110 : vector<1x16xf32> to vector<16xf32>
        %swap3A_112 = vector.shape_cast %add3A_107 : vector<16xf32> to vector<1x16xf32>
        tpu.vector_store %arg7[%swap3A_108, %swap3A_109], %swap3A_112 {strides = array<i32>} : memref<200x64xf32, #tpu.memory_space<vmem>>, vector<1x16xf32>,
      }
      %scan3A_45 = arith.constant 200 : i32
      "tpu.region"() ({
        %run_scoped3A = tpu.sem_alloc : memref<!tpu.dma_semaphore, #tpu.memory_space<semaphore_mem>>
        %dma_start3A_46 = arith.constant 0 : i32
        %dma_start3A_47 = arith.constant 0 : i32
        %dma_start3A_48 = tpu.memref_slice %arg5[%add3A_9, %dma_start3A_46, %dma_start3A_47] : memref<4096x200x64xf32, #tpu.memory_space<hbm>> -> memref<1x200x64xf32, #tpu.memory_space<hbm>>
        %dma_start3A_49 = tpu.memref_squeeze %dma_start3A_48 : memref<1x200x64xf32, #tpu.memory_space<hbm>> -> memref<200x64xf32, #tpu.memory_space<hbm>>
        %dma_start3A_50 = arith.constant 0 : i32
        %dma_start3A_51 = arith.constant 0 : i32
        %dma_start3A_52 = tpu.memref_slice %arg5[%add3A_9, %dma_start3A_50, %dma_start3A_51] : memref<4096x200x64xf32, #tpu.memory_space<hbm>> -> memref<1x200x64xf32, #tpu.memory_space<hbm>>
        %dma_start3A_53 = tpu.memref_squeeze %dma_start3A_52 : memref<1x200x64xf32, #tpu.memory_space<hbm>> -> memref<200x64xf32, #tpu.memory_space<hbm>>
        tpu.enqueue_dma source(%arg7 : memref<200x64xf32, #tpu.memory_space<vmem>>) target(%dma_start3A_53 : memref<200x64xf32, #tpu.memory_space<hbm>>) target_semaphore(%run_scoped3A : memref<!tpu.dma_semaphore, #tpu.memory_space<semaphore_mem>>)
        %dma_wait3A_54 = arith.constant 0 : i32
        %dma_wait3A_55 = arith.constant 0 : i32
        %dma_wait3A_56 = tpu.memref_slice %arg5[%add3A_9, %dma_wait3A_54, %dma_wait3A_55] : memref<4096x200x64xf32, #tpu.memory_space<hbm>> -> memref<1x200x64xf32, #tpu.memory_space<hbm>>
        %dma_wait3A_57 = tpu.memref_squeeze %dma_wait3A_56 : memref<1x200x64xf32, #tpu.memory_space<hbm>> -> memref<200x64xf32, #tpu.memory_space<hbm>>
        %dma_wait3A_58 = arith.constant 0 : i32
        %dma_wait3A_59 = arith.constant 0 : i32
        %dma_wait3A_60 = tpu.memref_slice %arg5[%add3A_9, %dma_wait3A_58, %dma_wait3A_59] : memref<4096x200x64xf32, #tpu.memory_space<hbm>> -> memref<1x200x64xf32, #tpu.memory_space<hbm>>
        %dma_wait3A_61 = tpu.memref_squeeze %dma_wait3A_60 : memref<1x200x64xf32, #tpu.memory_space<hbm>> -> memref<200x64xf32, #tpu.memory_space<hbm>>
        tpu.wait_dma2 semaphore(%run_scoped3A : memref<!tpu.dma_semaphore, #tpu.memory_space<semaphore_mem>>) src(%arg7 : memref<200x64xf32, #tpu.memory_space<vmem>>) dst(%dma_wait3A_61 : memref<200x64xf32, #tpu.memory_space<hbm>>)
        tpu.yield
      }) : () -> ()
    }
    %scan3A_7 = arith.constant 128 : i32
    return
  }
}

</mosaic_0001>

<sc_bundles>
// kernel: kernel.3.cloned.1.call-start
scs
__scs_entry_jumppad:
0x0: {  	(pc) =	sbr.rel $0x88, $3  }
0x1: {  	(tag) =	ssettag $0x0;
	lr =	simm.s32 $0x1  }
0x2: {  	[smem:$0x3F9E] =	sst lr;
	_ =	strace $0xD0000000  }
0x3: {  	_ = 	snop  }
0x4: {  	_ = 	snop  }
0x5: {  	_ = 	snop  }
0x6: {  	_ = 	snop  }
0x7: {  	_ = 	snop  }
__scs_overlays_trampoline_lowered:
0x8: {  	[smem:$0x3FAD] =	sst s0  }
0x9: {  	[smem:$0x3FAE] =	sst s1  }
0xa: {  	[smem:$0x3FAF] =	sst s2  }
0xb: {  	[smem:$0x3FB0] =	sst s3  }
0xc: {  	[smem:$0x3FB1] =	sst s4  }
0xd: {  	[smem:$0x3FB2] =	sst s5  }
0xe: {  	[smem:$0x3FB3] =	sst s6  }
0xf: {  	[smem:$0x3FB4] =	sst s7  }
0x10: {  	[smem:$0x3FB5] =	sst s8  }
0x11: {  	[smem:$0x3FB6] =	sst s9;
	s0 =	simm.s32 @!p0 $0x0  }
0x12: {  	s1 =	sld [smem:$0x3F9C];
	s0 =	simm.s32 @p0 $0x1  }
0x13: {  	[smem:$0x3FB7] =	sst s0;
	s0 =	simm.s32 @!p1 $0x0  }
0x14: {  	s2 =	sld [smem:$0x3F9B];
	s0 =	simm.s32 @p1 $0x1  }
0x15: {  	[smem:$0x3FB8] =	sst s0;
	s0 =	simm.s32 @!p2 $0x0  }
0x16: {  	s3 =	sld [smem:$0x3FDB];
	s0 =	simm.s32 @p2 $0x1  }
0x17: {  	s4 =	simm.s32 $0x1BF5;
	[smem:$0x3FBA] =	sst s0  }
0x18: {  	s0 =	sld [smem:$0x3F9D];
	_ =	swait.ge [sflag:s4], $0x0  }
0x19: {  	s7 =	sld [smem:$0x3F9E]  }
0x1a: {  	s8 =	sadd.s32 $0xFFFFE003, lr  }
0x1b: {  	s9 =	sadd.s32 $0xFFFFFEF7, lr;
	s5 =	simm.s32 $0xFFFFFFFF;
	p2 =	slt.u32 s8, $0xFFFFF086  }
0x1c: {  	p1 =	slt.u32 s9, $0xF7A;
	s5 =	simm.s32 @!p2 $0x0  }
0x1d: {  	s5 =	simm.s32 @p1 $0x1;
	p0 =	seq.s32 s7, s2  }
0x1e: {  	s7 =	smul.u32 @!p0 $0xF7A, s2;
	p2 =	seq.s32 @!p0 s5, $0x0  }
0x1f: {  	s9 =	smul.u32 $0xF7A, s1;
	s8 =	simm.s32 @!p0 $0x1BF5;
	p2 =	por !p2, p0  }
0x20: {  	[sflag:s8] =	ssyncset.s32 @!p0 $0xFFFFF086;
	s6 =	sadd.s32 @!p0 s3, s7;
	s7 =	simm.s32 @!p0 $0x108  }
0x21: {  	s3 =	sadd.s32 s3, s9;
	s6 =	sadd.s32 @!p0 $0x88, s6;
	s7 =	simm.s32 @p2 $0x1082  }
0x22: {  	[simem:s7], [sflag:s8] =	dma.local @!p0 [hbm:s6], $0xF7A  }
0x23: {  	s9 =	sor.u32 $0xD0000000, s2;
	s6 =	simm.s32 $0x108;
	_ =	swait.ge @!p0 [sflag:s8], $0x0  }
0x24: {  	s3 =	sadd.s32 $0x88, s3;
	s6 =	simm.s32 @!p1 $0x1082;
	[sflag:s4] =	ssyncset.s32 $0xFFFFF086  }
0x25: {  	[simem:s6], [sflag:s4] =	dma.local [hbm:s3], $0xF7A  }
0x26: {  	[smem:$0x3F9E] =	sst s1;
	(tag) =	ssettag s2;
	_ =	strace s9  }
0x27: {  	s1 =	sld [smem:$0x3FAE]  }
0x28: {  	s2 =	sld [smem:$0x3FAF]  }
0x29: {  	s4 =	sld [smem:$0x3FB1]  }
0x2a: {  	p0 =	seq.s32 s5, $0x0;
	s5 =	sld [smem:$0x3FB2]  }
0x2b: {  	s6 =	sld [smem:$0x3FB3]  }
0x2c: {  	s7 =	sld [smem:$0x3FB4]  }
0x2d: {  	s3 =	simm.s32 $0x108;
	s8 =	sld [smem:$0x3FB5]  }
0x2e: {  	s3 =	simm.s32 @!p0 $0x1082;
	s9 =	sld [smem:$0x3FB6]  }
0x2f: {  	lr =	sadd.s32 s0, s3;
	s0 =	sld [smem:$0x3FAD]  }
0x30: {  	s3 =	sld [smem:$0x3FB0]  }
0x31: {  	[smem:$0x3FB9] =	sst s10  }
0x32: {  	s10 =	sld [smem:$0x3FB7];
	_ =	sdelay $0x3  }
0x33: {  	p0 =	seq.s32 s10, $0x1;
	s10 =	sld [smem:$0x3FB9];
	_ =	sdelay $0x3  }
0x34: {  	[smem:$0x3FB9] =	sst s10  }
0x35: {  	s10 =	sld [smem:$0x3FB8];
	_ =	sdelay $0x3  }
0x36: {  	p1 =	seq.s32 s10, $0x1;
	s10 =	sld [smem:$0x3FB9];
	_ =	sdelay $0x3  }
0x37: {  	[smem:$0x3FB9] =	sst s10  }
0x38: {  	s10 =	sld [smem:$0x3FBA]  }
0x39: {  	_ = 	snop;
	(pc) =	sbr.ind lr, $3  }
0x3a: {  	_ = 	snop  }
0x3b: {  	_ = 	snop  }
0x3c: {  	p2 =	seq.s32 s10, $0x1;
	s10 =	sld [smem:$0x3FB9]  }
0x3d: {  	_ =	shalt  }
0x3e: {  	_ =	shalt  }
0x3f: {  	_ =	shalt  }
0x40: {  	_ =	shalt  }
0x41: {  	_ =	shalt  }
0x42: {  	_ =	shalt  }
0x43: {  	_ =	shalt  }
0x44: {  	_ =	shalt  }
0x45: {  	_ =	shalt  }
0x46: {  	_ =	shalt  }
0x47: {  	_ =	shalt  }
0x48: {  	_ =	shalt  }
0x49: {  	_ =	shalt  }
0x4a: {  	_ =	shalt  }
0x4b: {  	_ =	shalt  }
0x4c: {  	_ =	shalt  }
0x4d: {  	_ =	shalt  }
0x4e: {  	_ =	shalt  }
0x4f: {  	_ =	shalt  }
0x50: {  	_ =	shalt  }
0x51: {  	_ =	shalt  }
0x52: {  	_ =	shalt  }
0x53: {  	_ =	shalt  }
0x54: {  	_ =	shalt  }
0x55: {  	_ =	shalt  }
0x56: {  	_ =	shalt  }
0x57: {  	_ =	shalt  }
0x58: {  	_ =	shalt  }
0x59: {  	_ =	shalt  }
0x5a: {  	_ =	shalt  }
0x5b: {  	_ =	shalt  }
0x5c: {  	_ =	shalt  }
0x5d: {  	_ =	shalt  }
0x5e: {  	_ =	shalt  }
0x5f: {  	_ =	shalt  }
0x60: {  	_ =	shalt  }
0x61: {  	_ =	shalt  }
0x62: {  	_ =	shalt  }
0x63: {  	_ =	shalt  }
0x64: {  	_ =	shalt  }
0x65: {  	_ =	shalt  }
0x66: {  	_ =	shalt  }
0x67: {  	_ =	shalt  }
0x68: {  	_ =	shalt  }
0x69: {  	_ =	shalt  }
0x6a: {  	_ =	shalt  }
0x6b: {  	_ =	shalt  }
0x6c: {  	_ =	shalt  }
0x6d: {  	_ =	shalt  }
0x6e: {  	_ =	shalt  }
0x6f: {  	_ =	shalt  }
0x70: {  	_ =	shalt  }
0x71: {  	_ =	shalt  }
0x72: {  	_ =	shalt  }
0x73: {  	_ =	shalt  }
0x74: {  	_ =	shalt  }
0x75: {  	_ =	shalt  }
0x76: {  	_ =	shalt  }
0x77: {  	_ =	shalt  }
0x78: {  	_ =	shalt  }
0x79: {  	_ =	shalt  }
0x7a: {  	_ =	shalt  }
0x7b: {  	_ =	shalt  }
0x7c: {  	_ =	shalt  }
0x7d: {  	_ =	shalt  }
0x7e: {  	_ =	shalt  }
0x7f: {  	_ =	shalt  }
0x80: {  	_ =	shalt  }
0x81: {  	_ =	shalt  }
0x82: {  	_ =	shalt  }
0x83: {  	_ =	shalt  }
0x84: {  	_ =	shalt  }
0x85: {  	_ =	shalt  }
0x86: {  	_ =	shalt  }
0x87: {  	_ =	shalt  }
.Lfunc_end0:
.L_simem_size_0:
called_computation.1_lowered:
.L_overlay_start_0:
0x88: {  	s2 =	sld [smem:$0x3FD9]  }
0x89: {  	s3 =	sld [smem:$0x3FFE];
	_ =	sdelay $0x1  }
0x8a: {  	s1 =	srdreg.scid  }
0x8b: {  	s0 =	sand.u32 $0x1, s1  }
0x8c: {  	s17 =	sshll.u32 s0, $0xA;
	s2 =	sadd.s32 s3, s2  }
0x8d: {  	s2 =	sadd.s32 s2, s17  }
0x8e: {  	[smem:$0x3FC5] =	sst s2  }
0x8f: {  	_ = 	snop  }
0x90: {  	s2 =	sld [smem:$0x3FD0];
	(tm) =	ssettm $0x1  }
0x91: {  	s18 =	sld [smem:$0x3FFB];
	_ =	sdelay $0x3  }
0x92: {  	_ =	strace s18  }
0x93: {  	s3 =	sld [smem:$0x3FFC];
	_ =	sdelay $0x3  }
0x94: {  	_ =	strace s3  }
0x95: {  	s3 =	sld [smem:$0x3FFD];
	_ =	sdelay $0x3  }
0x96: {  	_ =	strace s3  }
0x97: {  	_ =	strace $0x8FFFFFFF  }
0x98: {  	s19 =	sld [smem:$0x3FDB];
	_ =	sdelay $0x1  }
0x99: {  	s4 =	simm.s32 $_scs_section_size  }
0x9a: {  	s5 =	simm.s32 $_size__tile_overlayer_lowered;
	s6 =	simm.s32 $_tile_overlayer_lowered  }
0x9b: {  	s22 =	simm.s32 $0x1BFF;
	s21 =	sshll.u32 s6, $0x1;
	s3 =	sadd.s32 s4, s19  }
0x9c: {  	s7 =	simm.s32 $0x0;
	s20 =	sshll.u32 s5, $0x1;
	s5 =	sadd.s32 s21, s3  }
0x9d: {  	[timem:s7], [sflag:s22] =	dma.local [hbm:s5], s20  }
0x9e: {  	_ =	swait.ge [sflag:s22], s20  }
0x9f: {  	s4 =	ssub.s32 $0x0, s20;
	[sflag:s22] =	ssyncset.done $0x0  }
0xa0: {  	[sflag:s22] =	ssyncadd.s32 s4;
	_ =	sdelay $0x1  }
0xa1: {  	s23 =	simm.s32 $0x1B8B  }
0xa2: {  	_ =	swait.ge [sflag:s23], $0x1  }
0xa3: {  	[sflag:s23] =	ssyncset.done $0x0  }
0xa4: {  	s25 =	simm.s32 $0x1B8E;
	s24 =	sld [smem:$0x3FFE];
	[sflag:s23] =	ssyncadd.s32 $0xFFFFFFFF  }
0xa5: {  	s26 =	simm.s32 $execute0_lowered;
	[smem:$0x3FD2] =	sst s25  }
0xa6: {  	s5 =	sshll.u32 s26, $0x1;
	_ =	strace $0x80000046;
	[dreg:$0x1] =	wrdreg $0xFFFFFFFF  }
0xa7: {  	s28 =	simm.s32 $_size_execute0_lowered;
	s3 =	sadd.s32 s3, s5;
	[dreg:$0x0] =	wrdreg $0x0  }
0xa8: {  	s5 =	sshll.u32 s28, $0x1;
	[dreg:$0x2] =	wrdreg s3  }
0xa9: {  	[dreg:$0x3] =	wrdreg s5  }
0xaa: {  	[dreg:$0x4] =	wrdreg $0xC0  }
0xab: {  	_ =	task [dreg:s7], $0x5FFFF  }
0xac: {  	[dreg:$0x1] =	wrdreg $0xFFFFFFFF  }
0xad: {  	[dreg:$0x0] =	wrdreg $0x60  }
0xae: {  	[dreg:$0x2] =	wrdreg s24  }
0xaf: {  	[dreg:$0x3] =	wrdreg s2  }
0xb0: {  	[dreg:$0x4] =	wrdreg $0x9  }
0xb1: {  	_ =	task.clear_ibuf [dreg:s7], $0x5FFFF;
	_ =	strace $0x90000046  }
0xb2: {  	s29 =	simm.s32 $0x9;
	_ =	strace $0x80000048  }
0xb3: {  	_ =	swait.ge [sflag:s29], $0x1  }
0xb4: {  	[sflag:s29] =	ssyncadd.s32 $0xFFFFFFFF  }
0xb5: {  	_ =	strace $0x90000048  }
0xb6: {  	_ =	sfence  }
0xb7: {  	s30 =	sld [smem:$0x0];
	_ =	sdelay $0x2  }
0xb8: {  	s31 =	sshll.u32 s1, $0xD;
	s1 =	sshrl.u32 s1, $0x2  }
0xb9: {  	s3 =	sand.u32 $0x4000, s31;
	s1 =	sadd.s32 s1, s30  }
0xba: {  	s0 =	sor.u32 s3, s0;
	s1 =	sshll.u32 s1, $0x11  }
0xbb: {  	s0 =	sor.u32 s1, s0  }
0xbc: {  	s0 =	sadd.s32 $0x8F2B, s0  }
0xbd: {  	[sflag:s0] =	ssyncadd.remote.s32 $0x1  }
0xbe: {  	_ =	sfence.sel $0xFFFF  }
0xbf: {  	[dreg:$0x0] =	wrdreg $0xFFFFFFFF;
	(pc) =	sbr.abs _section_cstart, $3  }
0xc0: {  	[dreg:$0x1] =	wrdreg $0xFFFFFFFF  }
0xc1: {  	_ =	task.clear_ibuf [dreg:s7], $0x2FFFF;
	_ =	strace $0x9FFFFFFF  }
0xc2: {  	(tm) =	ssettm $0x7FFFFFFF  }
0xc3: {  	_ =	shalt  }
tec
execute0_lowered:
.L_overlay_start_1:
0x0: {  	(tag) =	ssettag $0x1  }
0x1: {  	s6 =	rddreg [dreg:$0x0]  }
0x2: {  	s1 =	rddreg [dreg:$0x1]  }
0x3: {  	s0 =	rddreg [dreg:$0x2]  }
0x4: {  	s2 =	simm.s32 $0x0;
	s3 =	srdreg.scid;
	s11 =	simm.s32 $0x78  }
0x5: {  	s12 =	simm.s32 $0xC8;
	s13 =	simm.s32 $0x50;
	s14 =	simm.s32 $0x1EC8  }
0x6: {  	s15 =	simm.s32 $0x1;
	s16 =	simm.s32 $0x0;
	[smem:$0x7FF] =	sst s2  }
0x7: {  	s4 =	sadd.s32 $0xE00, s6;
	s7 =	sand.u32 $0x1, s3;
	s5 =	sadd.s32 $0xF43200, s6  }
0x8: {  	s3 =	stileid.u32;
	s6 =	sadd.s32 $0x19E00, s6;
	s8 =	ssub.s32 $0x2, s7  }
0x9: {  	s10 =	sshll.u32 s3, $0x8;
	s7 =	sshll.u32 s7, $0x7;
	s9 =	sshrl.u32 s8, $0x1  }
0xa: {  	_ =	strace $0x80000047;
	s7 =	sor.u32 s7, s10;
	s8 =	ssub.s32 s8, s9  }
0xb: {  	s10 =	simm.s32 $0x2;
	s9 =	simm.s32 $0x32C8;
	s8 =	smax.u32 s8, $0x1  }
.LBB2_1:
0xc: {  	[tilespmem:s9], [sflag:$0x2] =	stream.linear.gather [hbm4b:s6+s2], $0x3200, $0x38;
	[tilespmem:$0x64C8] =	vst v63  }
0xd: {  	_ =	swait.ge [sflag:s10], $0x3200  }
0xe: {  	[sflag:s10] =	ssyncset.done $0x0  }
0xf: {  	s17 =	simm.s32 $0x0;
	[sflag:s10] =	ssyncadd.s32 $0xFFFFCE00  }
.LBB2_2:
0x10: {  	s18 =	sadd.s32 s7, s17  }
0x11: {  	s19 =	smul.u32 $0x19, s18;
	_ =	sdelay $0x1  }
0x12: {  	s20 =	simm.s32 $0x0;
	s19 =	sadd.s32 s4, s19  }
0x13: {  	[tilespmem:s20], [sflag:$0x2] =	stream.linear.gather [hbm4b:s19+s20], $0xC8, $0x38;
	[tilespmem:$0x64C8] =	vst v63  }
0x14: {  	_ =	swait.ge [sflag:s10], $0xC8  }
0x15: {  	[sflag:s10] =	ssyncset.done $0x0  }
0x16: {  	[sflag:s10] =	ssyncadd.s32 $0xFFFFFF38  }
0x17: {  	[tilespmem:s12], [sflag:$0x1] =	stream.indirect.gather [hbm4b:s5+s11], $0x40, s20, s11, $0xb8;
	[tilespmem:$0x64C8] =	vst v63  }
0x18: {  	_ = 	snop  }
0x19: {  	[tilespmem:s14], [sflag:$0x1] =	stream.indirect.gather [hbm4b:s5+s13], $0x40, s11, s13, $0xb8;
	[tilespmem:$0x64C8] =	vst v63  }
0x1a: {  	_ =	swait.ge [sflag:s15], $0x1E00  }
0x1b: {  	[sflag:s15] =	ssyncset.done $0x0  }
0x1c: {  	[sflag:s15] =	ssyncadd.s32 $0xFFFFE200  }
0x1d: {  	_ =	swait.ge [sflag:s15], $0x1400  }
0x1e: {  	[sflag:s15] =	ssyncset.done $0x0  }
0x1f: {  	s19 =	simm.s32 $0x0;
	[sflag:s15] =	ssyncadd.s32 $0xFFFFEC00  }
0x20: {  	v1 =	vld [tilespmem:s19+$0x32C8]  }
0x21: {  	v0 =	vld [tilespmem:s19+$0x32D8]  }
0x22: {  	v3 =	vld [tilespmem:s19+$0xC8]  }
0x23: {  	v4 =	vld [tilespmem:s19+$0xD8]  }
0x24: {  	s20 =	simm.s32 $0x100;
	v2 =	vld [tilespmem:s19+$0xE8]  }
.LBB2_3:
0x25: {  	p0 =	sne.s32 s20, $0xC700;
	v5 =	vld [tilespmem:s19+$0xF8]  }
0x26: {  	v6 =	vld [tilespmem:s19+$0x32E8]  }
0x27: {  	v3 =	vmul.f32 $8.000000000e+00, v3;
	v7 =	vld [tilespmem:s19+$0x32F8]  }
0x28: {  	v4 =	vmul.f32 $8.000000000e+00, v4  }
0x29: {  	s21 =	sshra.s32 s20, $0x2;
	v3 =	vadd.f32 v1, v3;
	v2 =	vmul.f32 $8.000000000e+00, v2  }
.Ltmp0:
0x2a: {  	v1 =	vld [tilespmem:s21+$0x32C8];
	v4 =	vadd.f32 v0, v4;
	v5 =	vmul.f32 $8.000000000e+00, v5;
	(pc) =	sbr.rel @p0 .LBB2_3-.Ltmp0, $4  }
0x2b: {  	v0 =	vld [tilespmem:s21+$0x32D8];
	[tilespmem:s19+$0xC8] =	vst v3;
	v2 =	vadd.f32 v6, v2  }
0x2c: {  	v3 =	vld [tilespmem:s21+$0xC8];
	[tilespmem:s19+$0xD8] =	vst v4;
	v5 =	vadd.f32 v7, v5  }
0x2d: {  	v4 =	vld [tilespmem:s21+$0xD8];
	[tilespmem:s19+$0xE8] =	vst v2  }
0x2e: {  	s20 =	sadd.s32 $0x100, s20;
	v2 =	vld [tilespmem:s21+$0xE8];
	[tilespmem:s19+$0xF8] =	vst v5;
	s19 =	smov.u32 s21  }
0x2f: {  	v5 =	vld [tilespmem:s19+$0xF8]  }
0x30: {  	v6 =	vld [tilespmem:s19+$0x32E8]  }
0x31: {  	v7 =	vld [tilespmem:s19+$0x32F8];
	v3 =	vmul.f32 $8.000000000e+00, v3  }
0x32: {  	v4 =	vmul.f32 $8.000000000e+00, v4  }
0x33: {  	v1 =	vadd.f32 v1, v3;
	v2 =	vmul.f32 $8.000000000e+00, v2  }
0x34: {  	v0 =	vadd.f32 v0, v4;
	v61 =	vmul.f32 $8.000000000e+00, v5  }
0x35: {  	[tilespmem:s19+$0xC8] =	vst v1;
	v62 =	vadd.f32 v6, v2  }
0x36: {  	s18 =	smul.u32 $0x640, s18;
	s17 =	sadd.s32 $0x1, s17;
	[tilespmem:s19+$0xD8] =	vst v0;
	v63 =	vadd.f32 v7, v61  }
0x37: {  	p0 =	sne.s32 s17, $0x80;
	[tilespmem:s19+$0xE8] =	vst v62  }
.Ltmp1:
0x38: {  	s18 =	sadd.s32 s1, s18;
	[tilespmem:s19+$0xF8] =	vst v63;
	(pc) =	sbr.rel @p0 .LBB2_2-.Ltmp1, $4  }
0x39: {  	[hbm4b:s18+s2] =	stream.linear.scatter [tilespmem:s12], [sflag:$0x2], $0x3200, $0x38;
	[tilespmem:$0x64C8] =	vst v63  }
0x3a: {  	_ =	swait.ge [sflag:s10], $0x3200  }
0x3b: {  	[sflag:s10] =	ssyncset.done $0x0  }
0x3c: {  	[sflag:s10] =	ssyncadd.s32 $0xFFFFCE00  }
0x3d: {  	s16 =	sadd.s32 $0x1, s16  }
0x3e: {  	p0 =	sne.s32 s16, s8  }
.Ltmp2:
0x3f: {  	_ = 	snop;
	(pc) =	sbr.rel @p0 .LBB2_1-.Ltmp2, $1  }
0x40: {  	_ =	sdelay $0x3  }
0x41: {  	_ =	sfence.sel $0x180000  }
0x42: {  	[bflag:$0x0] =	sbarrier.arrive $0xFFFF  }
0x43: {  	p0 =	sne.s32 s3, $0x0;
	_ =	strace $0x90000047  }
0x44: {  	s0 =	sadd.s32 @!p0 $0x100000, s0;
	[bflag:$0x2] =	sbarrier.arrive $0xFFFF  }
0x45: {  	[sflag:s0] =	ssyncadd.tile.s32 @!p0 $0x1;
	_ =	shalt  }
.Lfunc_end2:
_tile_overlayer_lowered:
.L_overlay_start_2:
0x46: {  	(tag) =	ssettag $0x2  }
0x47: {  	s0 =	rddreg [dreg:$0x0];
	s2 =	stileid.u32  }
0x48: {  	s1 =	rddreg [dreg:$0x1];
	p0 =	sne.s32 s2, $0x0  }
0x49: {  	s3 =	rddreg [dreg:$0x2];
	[bflag:$0x3] =	sbarrier.arrive $0xFFFF;
	s2 =	simm.s32 @!p0 $0x1C02  }
0x4a: {  	[timem:s3], [sflag:s2] =	dma.local @!p0 [hbm:s0], s1  }
0x4b: {  	s0 =	simm.s32 @!p0 $0x2  }
0x4c: {  	_ =	swait.ge @!p0 [sflag:s0], s1  }
0x4d: {  	s1 =	ssub.s32 @!p0 $0x0, s1;
	[sflag:s0] =	ssyncset.done @!p0 $0x0  }
0x4e: {  	[sflag:s0] =	ssyncadd.s32 @!p0 s1  }
0x4f: {  	[bflag:$0x3] =	sbarrier.arrive $0xFFFF  }
0x50: {  	_ =	shalt  }

// kernel: sparse-core-data-format-call.cloned.1.call-start
scs
called_computation_lowered:
.L_overlay_start_0:
0x0: {  	s2 =	sld [smem:$0x3FD9]  }
0x1: {  	s3 =	sld [smem:$0x3FFE];
	_ =	sdelay $0x1  }
0x2: {  	s1 =	srdreg.scid  }
0x3: {  	s0 =	sand.u32 $0x1, s1  }
0x4: {  	s18 =	sshll.u32 s0, $0xA;
	s2 =	sadd.s32 s3, s2  }
0x5: {  	s2 =	sadd.s32 s2, s18  }
0x6: {  	[smem:$0x3FC5] =	sst s2  }
0x7: {  	_ = 	snop  }
0x8: {  	s2 =	sld [smem:$0x3FD0];
	(tm) =	ssettm $0x1  }
0x9: {  	s19 =	sld [smem:$0x3FFB];
	_ =	sdelay $0x3  }
0xa: {  	_ =	strace s19  }
0xb: {  	s3 =	sld [smem:$0x3FFC];
	_ =	sdelay $0x3  }
0xc: {  	_ =	strace s3  }
0xd: {  	s3 =	sld [smem:$0x3FFD];
	_ =	sdelay $0x3  }
0xe: {  	_ =	strace s3  }
0xf: {  	_ =	strace $0x8FFFFFFF  }
0x10: {  	s20 =	sld [smem:$0x3FDB];
	_ =	sdelay $0x1  }
0x11: {  	s4 =	simm.s32 $_scs_section_size  }
0x12: {  	s5 =	simm.s32 $_size__tile_overlayer_lowered;
	s6 =	simm.s32 $_tile_overlayer_lowered  }
0x13: {  	s23 =	simm.s32 $0x1BFF;
	s22 =	sshll.u32 s6, $0x1;
	s3 =	sadd.s32 s4, s20  }
0x14: {  	s7 =	simm.s32 $0x0;
	s21 =	sshll.u32 s5, $0x1;
	s5 =	sadd.s32 s22, s3  }
0x15: {  	[timem:s7], [sflag:s23] =	dma.local [hbm:s5], s21  }
0x16: {  	_ =	swait.ge [sflag:s23], s21  }
0x17: {  	s4 =	ssub.s32 $0x0, s21;
	[sflag:s23] =	ssyncset.done $0x0  }
0x18: {  	[sflag:s23] =	ssyncadd.s32 s4;
	_ =	sdelay $0x1  }
0x19: {  	s24 =	simm.s32 $0x1B8B  }
0x1a: {  	_ =	swait.ge [sflag:s24], $0x1  }
0x1b: {  	[sflag:s24] =	ssyncset.done $0x0  }
0x1c: {  	s26 =	simm.s32 $0x1B8E;
	s25 =	sld [smem:$0x3FFE];
	[sflag:s24] =	ssyncadd.s32 $0xFFFFFFFF  }
0x1d: {  	s27 =	simm.s32 $execute0_lowered;
	[smem:$0x3FD2] =	sst s26  }
0x1e: {  	s5 =	sshll.u32 s27, $0x1;
	_ =	strace $0x80000049;
	[dreg:$0x1] =	wrdreg $0xFFFFFFFF  }
0x1f: {  	s28 =	simm.s32 $_size_execute0_lowered;
	s3 =	sadd.s32 s3, s5;
	[dreg:$0x0] =	wrdreg $0x0  }
0x20: {  	s5 =	sshll.u32 s28, $0x1;
	[dreg:$0x2] =	wrdreg s3  }
0x21: {  	[dreg:$0x3] =	wrdreg s5  }
0x22: {  	[dreg:$0x4] =	wrdreg $0xC0  }
0x23: {  	_ =	task [dreg:s7], $0x5FFFF  }
0x24: {  	[dreg:$0x1] =	wrdreg $0xFFFFFFFF  }
0x25: {  	[dreg:$0x0] =	wrdreg $0x60  }
0x26: {  	[dreg:$0x2] =	wrdreg s25  }
0x27: {  	[dreg:$0x3] =	wrdreg s2  }
0x28: {  	[dreg:$0x4] =	wrdreg $0x9  }
0x29: {  	_ =	task.clear_ibuf [dreg:s7], $0x5FFFF;
	_ =	strace $0x90000049  }
0x2a: {  	s29 =	simm.s32 $0x9;
	_ =	strace $0x8000004B  }
0x2b: {  	_ =	swait.ge [sflag:s29], $0x1  }
0x2c: {  	[sflag:s29] =	ssyncadd.s32 $0xFFFFFFFF  }
0x2d: {  	_ =	strace $0x9000004B  }
0x2e: {  	_ =	sfence  }
0x2f: {  	s30 =	sld [smem:$0x0];
	_ =	sdelay $0x2  }
0x30: {  	s31 =	sshll.u32 s1, $0xD;
	s1 =	sshrl.u32 s1, $0x2  }
0x31: {  	s3 =	sand.u32 $0x4000, s31;
	s1 =	sadd.s32 s1, s30  }
0x32: {  	s0 =	sor.u32 s3, s0;
	s1 =	sshll.u32 s1, $0x11  }
0x33: {  	s0 =	sor.u32 s1, s0  }
0x34: {  	s0 =	sadd.s32 $0x8F2B, s0  }
0x35: {  	[sflag:s0] =	ssyncadd.remote.s32 $0x1  }
0x36: {  	_ =	sfence.sel $0xFFFF  }
0x37: {  	[dreg:$0x0] =	wrdreg $0xFFFFFFFF;
	(pc) =	sbr.abs _section_cstart, $3  }
0x38: {  	[dreg:$0x1] =	wrdreg $0xFFFFFFFF  }
0x39: {  	_ =	task.clear_ibuf [dreg:s7], $0x2FFFF;
	_ =	strace $0x9FFFFFFF  }
0x3a: {  	(tm) =	ssettm $0x7FFFFFFF  }
0x3b: {  	_ =	shalt  }
tec
execute0_lowered:
.L_overlay_start_1:
0x0: {  	(tag) =	ssettag $0x1  }
0x1: {  	s0 =	srdreg.scid  }
0x2: {  	s1 =	sshll.u32 s0, $0x4  }
0x3: {  	s0 =	stileid.u32;
	s1 =	sand.u32 $0x10, s1  }
0x4: {  	s1 =	sor.u32 s0, s1  }
0x5: {  	s6 =	rddreg [dreg:$0x0];
	s4 =	simm.s32 $0x1;
	s2 =	sshll.u32 s1, $0x7  }
0x6: {  	s7 =	simm.s32 $0x2;
	s12 =	simm.s32 $0x0;
	s1 =	ssub.s32 $0x1000, s2  }
0x7: {  	s8 =	simm.s32 $0x8000;
	s13 =	simm.s32 $0x0;
	s3 =	sand.u32 $0xF80, s1  }
0x8: {  	s9 =	simm.s32 $0x0;
	s5 =	sshrl.u32 s1, $0xC;
	p0 =	sne.s32 s3, $0x0  }
.Ltmp0:
0x9: {  	s1 =	rddreg [dreg:$0x2];
	s4 =	simm.s32 @!p0 $0x0;
	(pc) =	sbr.rel .LBB1_1-.Ltmp0, $4  }
0xa: {  	s11 =	simm.s32 $0x0;
	s3 =	rddreg [dreg:$0x1];
	s5 =	sadd.s32 s4, s5  }
0xb: {  	_ =	strace $0x8000004A;
	s4 =	simm.s32 $0x1;
	s5 =	smul.u32 $0xC8, s5  }
0xc: {  	s6 =	sadd.s32 $0xE00, s6;
	s10 =	smov.u32 s2;
	[sflag:s4] =	ssyncpa.u1 $0x0  }
0xd: {  	p0 =	por $0x0, $0x0;
	[sflag:s7] =	ssyncpa.u1 $0x0;
	s7 =	sor.u32 $0x1, s5  }
.LBB1_4:
0xe: {  	s16 =	sshll.u32 s13, $0x3;
	s17 =	sand.u32 $0x78, s13  }
0xf: {  	s30 =	sand.u32 $0x7E00, s13;
	s12 =	sshll.u32 s12, $0xF;
	s16 =	sand.u32 $0xC00, s16  }
0x10: {  	[tilespmem:s15+$0x810 ss:$0x81] =	vst.msk $0xffff, v2;
	s31 =	sand.u32 $0x7, s13;
	s16 =	sor.u32 s17, s16;
	s17 =	sadd.s32 s3, s30  }
0x11: {  	[tilespmem:s15+$0x1020 ss:$0x81] =	vst.msk $0xffff, v0;
	s13 =	sshll.u32 s31, $0x12;
	s12 =	sadd.s32 s12, s17;
	s16 =	sshrl.u32 s16, $0x3  }
0x12: {  	[tilespmem:s15+$0x0 ss:$0x81] =	vst.msk $0xffff, v1;
	s13 =	sor.u32 $0x400, s13;
	s12 =	sadd.s32 s16, s12  }
0x13: {  	[hbm4b:s12+s13] =	stream.strided.scatter [tilespmem:s14], [sflag:$0x2], $0x2000, s8, s13, $0x20;
	[tilespmem:$0x8080] =	vst v63  }
.LBB1_5:
0x14: {  	s14 =	sadd.s32 $0x1, s9  }
0x15: {  	s12 =	sadd.s32 $0x1000, s10;
	s16 =	smov.u32 s10;
	p2 =	sgt.s32 s14, $0xC7  }
0x16: {  	s16 =	smov.u32 @p2 s12  }
0x17: {  	s14 =	simm.s32 @p2 $0x0;
	p2 =	sgt.s32 s16, $0xFFF  }
0x18: {  	s16 =	smov.u32 @p2 s2;
	p2 =	sne.s32 s11, s7  }
.Ltmp1:
0x19: {  	p1 =	slt.u32 s11, $0x2;
	(pc) =	sbr.rel @!p2 .LBB1_6-.Ltmp1, $4  }
0x1a: {  	s15 =	simm.s32 @!p1 $0x2  }
0x1b: {  	s13 =	smov.u32 s10;
	p0 =	por !p0, !p0;
	_ =	swait.ge @!p1 [sflag:s15], $0x2000  }
0x1c: {  	s12 =	smov.u32 s9;
	[sflag:s15] =	ssyncset.done @!p1 $0x0;
	s9 =	smov.u32 s14  }
0x1d: {  	s11 =	sadd.s32 $0x1, s11;
	[sflag:s15] =	ssyncadd.s32 @!p1 $0xFFFFE000;
	s10 =	smov.u32 s16  }
.LBB1_1:
0x1e: {  	p1 =	sge.u32 s11, s5  }
0x1f: {  	s14 =	sand.u32 @!p1 $0x1FFFFFF, s9  }
0x20: {  	s15 =	smulhi.u32 @!p1 $0x147AE15, s14;
	_ =	sdelay $0x1  }
0x21: {  	s15 =	smul.u32 @!p1 $0xC8, s15  }
0x22: {  	s16 =	sxor.u32 @!p1 $0xFFFFFFFF, s11;
	s17 =	smul.u32 @!p1 $0xC80, s10  }
0x23: {  	s31 =	sadd.s32 $0xFFFFFFFF, s11;
	s16 =	sshll.u32 @!p1 s16, $0xD;
	s14 =	ssub.s32 @!p1 s14, s15  }
0x24: {  	s15 =	sand.u32 @!p1 $0x2000, s16;
	s16 =	sadd.s32 @!p1 s6, s17;
	s14 =	sshll.u32 @!p1 s14, $0x4  }
0x25: {  	s17 =	simm.s32 @!p1 $0x6400;
	s14 =	sadd.s32 @!p1 s14, s16;
	s16 =	simm.s32 @!p1 $0x40  }
0x26: {  	[tilespmem:s15], [sflag:$0x1] =	stream.strided.gather @!p1 [hbm4b:s14+s16], $0x2000, s17, s16, $0x38;
	[tilespmem:$0x8080] =	vst v63  }
0x27: {  	p1 =	sge.u32 s31, s5  }
.Ltmp2:
0x28: {  	_ = 	snop;
	(pc) =	sbr.rel @p1 .LBB1_5-.Ltmp2, $1  }
0x29: {  	_ =	sdelay $0x3  }
0x2a: {  	s14 =	simm.s32 $0x1  }
0x2b: {  	_ =	swait.ge [sflag:s4], $0x2000;
	s14 =	simm.s32 @!p0 $0x0  }
0x2c: {  	[sflag:s4] =	ssyncset.done $0x0;
	s15 =	sshll.u32 s14, $0xD  }
0x2d: {  	[sflag:s4] =	ssyncadd.s32 $0xFFFFE000;
	s18 =	sor.u32 $0x20, s15  }
0x2e: {  	s14 =	smul.u32 $0x8100, s14;
	v3 =	vld [tilespmem:s18+$0x10]  }
0x2f: {  	s30 =	sand.u32 $0x1, s11;
	v2 =	vld [tilespmem:s18+$0xFFFFFFF0]  }
0x30: {  	s15 =	smul.u32 $0x8100, s30;
	s14 =	sshrl.u32 s14, $0x2;
	v0 =	vld [tilespmem:s18+$0x0]  }
0x31: {  	v1 =	vld [tilespmem:s18+$0xFFFFFFE0];
	s16 =	sor.u32 $0x4000, s14  }
0x32: {  	s31 =	sshrl.u32 s15, $0x2;
	s15 =	sadd.s32 $0x0, s16  }
0x33: {  	s17 =	simm.s32 $0x4;
	s18 =	sadd.s32 $0x40, s18;
	s14 =	sor.u32 $0x4000, s31;
	[tilespmem:s15+$0x1830 ss:$0x81] =	vst.msk $0xffff, v3  }
.LBB1_3:
0x34: {  	v3 =	vld [tilespmem:s18+$0x10];
	p1 =	sne.s32 s17, $0x1FC;
	[tilespmem:s15+$0x810 ss:$0x81] =	vst.msk $0xffff, v2;
	s19 =	smov.u32 s17;
	s17 =	sadd.s32 $0x4, s17  }
.Ltmp3:
0x35: {  	v2 =	vld [tilespmem:s18+$0xFFFFFFF0];
	[tilespmem:s15+$0x1020 ss:$0x81] =	vst.msk $0xffff, v0;
	(pc) =	sbr.rel @p1 .LBB1_3-.Ltmp3, $4  }
0x36: {  	v0 =	vld [tilespmem:s18+$0x0];
	[tilespmem:s15+$0x0 ss:$0x81] =	vst.msk $0xffff, v1  }
0x37: {  	s15 =	sshra.s32 s19, $0x2;
	v1 =	vld [tilespmem:s18+$0xFFFFFFE0]  }
0x38: {  	s15 =	sadd.s32 s15, s16  }
0x39: {  	s18 =	sadd.s32 $0x40, s18;
	[tilespmem:s15+$0x1830 ss:$0x81] =	vst.msk $0xffff, v3  }
.Ltmp4:
0x3a: {  	_ = 	snop;
	(pc) =	sbr.rel .LBB1_4-.Ltmp4, $1  }
0x3b: {  	_ =	sdelay $0x3  }
.LBB1_6:
0x3c: {  	_ =	sfence.sel $0x180000  }
0x3d: {  	s2 =	simm.s32 $0x1;
	[bflag:$0x0] =	sbarrier.arrive $0xFFFF  }
0x3e: {  	s31 =	simm.s32 $0x2;
	[sflag:s2] =	ssyncpa.u1 $0x1  }
0x3f: {  	[sflag:s31] =	ssyncpa.u1 $0x1  }
0x40: {  	p0 =	sne.s32 s0, $0x0;
	_ =	strace $0x9000004A  }
0x41: {  	s0 =	sadd.s32 @!p0 $0x100000, s1;
	[bflag:$0x2] =	sbarrier.arrive $0xFFFF  }
0x42: {  	[sflag:s0] =	ssyncadd.tile.s32 @!p0 $0x1;
	_ =	shalt  }
.Lfunc_end1:
_tile_overlayer_lowered:
.L_overlay_start_2:
0x43: {  	(tag) =	ssettag $0x2  }
0x44: {  	s0 =	rddreg [dreg:$0x0];
	s2 =	stileid.u32  }
0x45: {  	s1 =	rddreg [dreg:$0x1];
	p0 =	sne.s32 s2, $0x0  }
0x46: {  	s3 =	rddreg [dreg:$0x2];
	[bflag:$0x3] =	sbarrier.arrive $0xFFFF;
	s2 =	simm.s32 @!p0 $0x1C01  }
0x47: {  	[timem:s3], [sflag:s2] =	dma.local @!p0 [hbm:s0], s1  }
0x48: {  	s0 =	simm.s32 @!p0 $0x1  }
0x49: {  	_ =	swait.ge @!p0 [sflag:s0], s1  }
0x4a: {  	s1 =	ssub.s32 @!p0 $0x0, s1;
	[sflag:s0] =	ssyncset.done @!p0 $0x0  }
0x4b: {  	[sflag:s0] =	ssyncadd.s32 @!p0 s1  }
0x4c: {  	[bflag:$0x3] =	sbarrier.arrive $0xFFFF  }
0x4d: {  	_ =	shalt  }

</sc_bundles>
